<compile_context>
chip_gen: v7x
topology: tpu7x:2x2x1
jax: 0.10.2.dev20260603
libtpu: 0.0.44.dev20260713+nightly
codegen_flags: <defaults>
</compile_context>

<pallas_src>
import functools

import jax
import jax.numpy as jnp
from jax import lax
from jax.experimental import pallas as pl
from jax.experimental.pallas import tpu as pltpu
from jax.experimental.pallas import tpu_sc as plsc

_IDXW = 128
_GPC = 8
_CHUNK = _IDXW * _GPC
_DP = 56


def _make_gather(n_flat: int):
    info = plsc.get_sparse_core_info()
    nw = info.num_cores * info.num_subcores
    assert n_flat % (nw * _CHUNK) == 0
    per_w = n_flat // nw
    n_rows_w = per_w // _IDXW
    n_outer = per_w // _CHUNK

    mesh = plsc.VectorSubcoreMesh(core_axis_name="c", subcore_axis_name="s")

    @functools.partial(
        pl.kernel,
        out_type=jax.ShapeDtypeStruct((n_flat, _DP), jnp.float32),
        mesh=mesh,
        compiler_params=pltpu.CompilerParams(use_tc_tiling_on_sc=False),
        scratch_types=[
            pltpu.VMEM((n_rows_w, _IDXW), jnp.int32),
            pltpu.VMEM((_CHUNK, _DP), jnp.float32),
        ] + [pltpu.SemaphoreType.DMA] * _GPC,
    )
    def gather_kernel(idx_hbm, table_hbm, out_hbm, idx_v, rows_v, *sems):
        wid = lax.axis_index("s") * info.num_cores + lax.axis_index("c")
        pltpu.sync_copy(idx_hbm.at[pl.ds(wid * n_rows_w, n_rows_w)], idx_v)

        def body(c, _):
            copies = []
            for g in range(_GPC):
                cp = pltpu.make_async_copy(
                    table_hbm.at[idx_v.at[c * _GPC + g]],
                    rows_v.at[pl.ds(g * _IDXW, _IDXW)],
                    sems[g],
                )
                cp.start()
                copies.append(cp)
            for cp in copies:
                cp.wait()
            base = wid * per_w + c * _CHUNK
            pltpu.sync_copy(rows_v, out_hbm.at[pl.ds(base, _CHUNK)])
            return ()

        lax.fori_loop(0, n_outer, body, (), unroll=False)

    return gather_kernel


def kernel(input_ids, table):
    b, l = input_ids.shape
    vocab, dim = table.shape
    n_flat = b * l
    tpad = jnp.pad(table, ((0, 0), (0, _DP - dim)))
    idx = input_ids.reshape(n_flat // _IDXW, _IDXW)
    outp = _make_gather(n_flat)(idx, tpad)
    return outp[:, :dim].reshape(b, l, dim)

# --- scband reference (transcript-rebuilt; emitter-appended) ---
"""Pipeline reference for scband-glo-ve-embedding-89197880803994 (READ-ONLY COPY).

The authoritative reference and input builder live on the scoring server;
editing this copy changes nothing except your own understanding.
"""

import jax, jax.numpy as jnp
import numpy as np

VOCAB = 100000
DIM = 50
B = 16384
L = 50
PAD = 0


def setup_inputs(seed: int = 0) -> dict:
    key = jax.random.key(seed)
    k1, k2 = jax.random.split(key)
    input_ids = jax.random.randint(k1, (B, L), 0, VOCAB, dtype=jnp.int32)
    # Embedding table (stands in for GloVe-initialized weights); padding row zeroed
    table = jax.random.normal(k2, (VOCAB, DIM), dtype=jnp.float32) * 0.02
    table = table.at[PAD].set(0.0)
    return {"input_ids": input_ids, "table": table}


def reference(input_ids, table):
    # nn.Embedding forward: gather rows of the table by token id
    # (B, L) -> (B, L, DIM)
    return jnp.take(table, input_ids, axis=0)

if __name__ == "__main__":
    import jax
    _d = setup_inputs()
    print(jax.jit(kernel)(*tuple(_d.values())))

</pallas_src>

<mosaic_0001>
#map = affine_map<(d0, d1) -> (0, 0)>
module attributes {stable_mosaic.version = 14 : i64} {
  func.func @gather_kernel(%arg0: i32, %arg1: i32, %arg2: memref<6400x128xi32, #tpu.memory_space<hbm>>, %arg3: memref<100000x56xf32, #tpu.memory_space<hbm>>, %arg4: memref<819200x56xf32, #tpu.memory_space<hbm>>, %arg5: memref<200x128xi32, #tpu.memory_space<vmem>>, %arg6: memref<1024x56xf32, #tpu.memory_space<vmem>>, %arg7: memref<!tpu.dma_semaphore, #tpu.memory_space<semaphore_mem>>, %arg8: memref<!tpu.dma_semaphore, #tpu.memory_space<semaphore_mem>>, %arg9: memref<!tpu.dma_semaphore, #tpu.memory_space<semaphore_mem>>, %arg10: memref<!tpu.dma_semaphore, #tpu.memory_space<semaphore_mem>>, %arg11: memref<!tpu.dma_semaphore, #tpu.memory_space<semaphore_mem>>, %arg12: memref<!tpu.dma_semaphore, #tpu.memory_space<semaphore_mem>>, %arg13: memref<!tpu.dma_semaphore, #tpu.memory_space<semaphore_mem>>, %arg14: memref<!tpu.dma_semaphore, #tpu.memory_space<semaphore_mem>>) attributes {dimension_semantics = [#tpu.dimension_semantics<core_parallel>, #tpu.dimension_semantics<subcore_parallel>], iteration_bounds = array<i64: 2, 16>, scalar_prefetch = 0 : i64, scratch_operands = 10 : i64, tpu.core_type = #tpu.core_type<sc_vector_subcore>, window_params = [{transform_indices = #map}, {transform_indices = #map}, {transform_indices = #map}]} {
    %mul3A = arith.constant 2 : i32
    %mul3A_0 = arith.muli %arg1, %mul3A : i32
    %add3A = arith.addi %mul3A_0, %arg0 : i32
    %mul3A_1 = arith.constant 200 : i32
    %mul3A_2 = arith.muli %add3A, %mul3A_1 : i32
    "tpu.region"() ({
      %run_scoped3A = tpu.sem_alloc : memref<!tpu.dma_semaphore, #tpu.memory_space<semaphore_mem>>
      %dma_start3A = arith.constant 0 : i32
      %dma_start3A_7 = tpu.memref_slice %arg2[%mul3A_2, %dma_start3A] : memref<6400x128xi32, #tpu.memory_space<hbm>> -> memref<200x128xi32, #tpu.memory_space<hbm>>
      %dma_start3A_8 = arith.constant 0 : i32
      %dma_start3A_9 = tpu.memref_slice %arg2[%mul3A_2, %dma_start3A_8] : memref<6400x128xi32, #tpu.memory_space<hbm>> -> memref<200x128xi32, #tpu.memory_space<hbm>>
      tpu.enqueue_dma source(%dma_start3A_9 : memref<200x128xi32, #tpu.memory_space<hbm>>) target(%arg5 : memref<200x128xi32, #tpu.memory_space<vmem>>) target_semaphore(%run_scoped3A : memref<!tpu.dma_semaphore, #tpu.memory_space<semaphore_mem>>)
      %dma_wait3A = arith.constant 0 : i32
      %dma_wait3A_10 = tpu.memref_slice %arg2[%mul3A_2, %dma_wait3A] : memref<6400x128xi32, #tpu.memory_space<hbm>> -> memref<200x128xi32, #tpu.memory_space<hbm>>
      %dma_wait3A_11 = arith.constant 0 : i32
      %dma_wait3A_12 = tpu.memref_slice %arg2[%mul3A_2, %dma_wait3A_11] : memref<6400x128xi32, #tpu.memory_space<hbm>> -> memref<200x128xi32, #tpu.memory_space<hbm>>
      tpu.wait_dma2 semaphore(%run_scoped3A : memref<!tpu.dma_semaphore, #tpu.memory_space<semaphore_mem>>) src(%dma_wait3A_12 : memref<200x128xi32, #tpu.memory_space<hbm>>) dst(%arg5 : memref<200x128xi32, #tpu.memory_space<vmem>>)
      tpu.yield
    }) : () -> ()
    %scan3A = arith.constant 0 : i32
    %scan3A_3 = arith.constant 25 : i32
    %scan3A_4 = arith.addi %scan3A, %scan3A_3 : i32
    %scan3A_5 = arith.constant 1 : i32
    scf.for %scan3A_7 = %scan3A to %scan3A_4 step %scan3A_5  : i32 {
      %mul3A_8 = arith.constant 8 : i32
      %mul3A_9 = arith.muli %scan3A_7, %mul3A_8 : i32
      %add3A_10 = arith.constant 0 : i32
      %add3A_11 = arith.addi %mul3A_9, %add3A_10 : i32
      %dma_start3A = arith.constant 0 : i32
      %dma_start3A_12 = arith.constant 0 : i32
      %dma_start3A_13 = tpu.memref_slice %arg6[%dma_start3A, %dma_start3A_12] : memref<1024x56xf32, #tpu.memory_space<vmem>> -> memref<128x56xf32, #tpu.memory_space<vmem>>
      %dma_start3A_14 = arith.constant 0 : i32
      %dma_start3A_15 = tpu.memref_slice %arg5[%add3A_11, %dma_start3A_14] : memref<200x128xi32, #tpu.memory_space<vmem>> -> memref<1x128xi32, #tpu.memory_space<vmem>>
      %dma_start3A_16 = tpu.memref_squeeze %dma_start3A_15 : memref<1x128xi32, #tpu.memory_space<vmem>> -> memref<128xi32, #tpu.memory_space<vmem>>
      %dma_start3A_17 = arith.constant 0 : i32
      %dma_start3A_18 = arith.constant 0 : i32
      %dma_start3A_19 = tpu.memref_slice %arg3[%dma_start3A_17, %dma_start3A_18] : memref<100000x56xf32, #tpu.memory_space<hbm>> -> memref<100000x56xf32, #tpu.memory_space<hbm>>
      tpu.enqueue_indirect_dma source(%dma_start3A_19 : memref<100000x56xf32, #tpu.memory_space<hbm>>) target(%dma_start3A_13 : memref<128x56xf32, #tpu.memory_space<vmem>>) offsets(%dma_start3A_16 : memref<128xi32, #tpu.memory_space<vmem>>) semaphore(%arg7 : memref<!tpu.dma_semaphore, #tpu.memory_space<semaphore_mem>>)
      %mul3A_20 = arith.constant 8 : i32
      %mul3A_21 = arith.muli %scan3A_7, %mul3A_20 : i32
      %add3A_22 = arith.constant 1 : i32
      %add3A_23 = arith.addi %mul3A_21, %add3A_22 : i32
      %dma_start3A_24 = arith.constant 128 : i32
      %dma_start3A_25 = arith.constant 0 : i32
      %dma_start3A_26 = tpu.memref_slice %arg6[%dma_start3A_24, %dma_start3A_25] : memref<1024x56xf32, #tpu.memory_space<vmem>> -> memref<128x56xf32, #tpu.memory_space<vmem>>
      %dma_start3A_27 = arith.constant 0 : i32
      %dma_start3A_28 = tpu.memref_slice %arg5[%add3A_23, %dma_start3A_27] : memref<200x128xi32, #tpu.memory_space<vmem>> -> memref<1x128xi32, #tpu.memory_space<vmem>>
      %dma_start3A_29 = tpu.memref_squeeze %dma_start3A_28 : memref<1x128xi32, #tpu.memory_space<vmem>> -> memref<128xi32, #tpu.memory_space<vmem>>
      %dma_start3A_30 = arith.constant 0 : i32
      %dma_start3A_31 = arith.constant 0 : i32
      %dma_start3A_32 = tpu.memref_slice %arg3[%dma_start3A_30, %dma_start3A_31] : memref<100000x56xf32, #tpu.memory_space<hbm>> -> memref<100000x56xf32, #tpu.memory_space<hbm>>
      tpu.enqueue_indirect_dma source(%dma_start3A_32 : memref<100000x56xf32, #tpu.memory_space<hbm>>) target(%dma_start3A_26 : memref<128x56xf32, #tpu.memory_space<vmem>>) offsets(%dma_start3A_29 : memref<128xi32, #tpu.memory_space<vmem>>) semaphore(%arg8 : memref<!tpu.dma_semaphore, #tpu.memory_space<semaphore_mem>>)
      %mul3A_33 = arith.constant 8 : i32
      %mul3A_34 = arith.muli %scan3A_7, %mul3A_33 : i32
      %add3A_35 = arith.constant 2 : i32
      %add3A_36 = arith.addi %mul3A_34, %add3A_35 : i32
      %dma_start3A_37 = arith.constant 256 : i32
      %dma_start3A_38 = arith.constant 0 : i32
      %dma_start3A_39 = tpu.memref_slice %arg6[%dma_start3A_37, %dma_start3A_38] : memref<1024x56xf32, #tpu.memory_space<vmem>> -> memref<128x56xf32, #tpu.memory_space<vmem>>
      %dma_start3A_40 = arith.constant 0 : i32
      %dma_start3A_41 = tpu.memref_slice %arg5[%add3A_36, %dma_start3A_40] : memref<200x128xi32, #tpu.memory_space<vmem>> -> memref<1x128xi32, #tpu.memory_space<vmem>>
      %dma_start3A_42 = tpu.memref_squeeze %dma_start3A_41 : memref<1x128xi32, #tpu.memory_space<vmem>> -> memref<128xi32, #tpu.memory_space<vmem>>
      %dma_start3A_43 = arith.constant 0 : i32
      %dma_start3A_44 = arith.constant 0 : i32
      %dma_start3A_45 = tpu.memref_slice %arg3[%dma_start3A_43, %dma_start3A_44] : memref<100000x56xf32, #tpu.memory_space<hbm>> -> memref<100000x56xf32, #tpu.memory_space<hbm>>
      tpu.enqueue_indirect_dma source(%dma_start3A_45 : memref<100000x56xf32, #tpu.memory_space<hbm>>) target(%dma_start3A_39 : memref<128x56xf32, #tpu.memory_space<vmem>>) offsets(%dma_start3A_42 : memref<128xi32, #tpu.memory_space<vmem>>) semaphore(%arg9 : memref<!tpu.dma_semaphore, #tpu.memory_space<semaphore_mem>>)
      %mul3A_46 = arith.constant 8 : i32
      %mul3A_47 = arith.muli %scan3A_7, %mul3A_46 : i32
      %add3A_48 = arith.constant 3 : i32
      %add3A_49 = arith.addi %mul3A_47, %add3A_48 : i32
      %dma_start3A_50 = arith.constant 384 : i32
      %dma_start3A_51 = arith.constant 0 : i32
      %dma_start3A_52 = tpu.memref_slice %arg6[%dma_start3A_50, %dma_start3A_51] : memref<1024x56xf32, #tpu.memory_space<vmem>> -> memref<128x56xf32, #tpu.memory_space<vmem>>
      %dma_start3A_53 = arith.constant 0 : i32
      %dma_start3A_54 = tpu.memref_slice %arg5[%add3A_49, %dma_start3A_53] : memref<200x128xi32, #tpu.memory_space<vmem>> -> memref<1x128xi32, #tpu.memory_space<vmem>>
      %dma_start3A_55 = tpu.memref_squeeze %dma_start3A_54 : memref<1x128xi32, #tpu.memory_space<vmem>> -> memref<128xi32, #tpu.memory_space<vmem>>
      %dma_start3A_56 = arith.constant 0 : i32
      %dma_start3A_57 = arith.constant 0 : i32
      %dma_start3A_58 = tpu.memref_slice %arg3[%dma_start3A_56, %dma_start3A_57] : memref<100000x56xf32, #tpu.memory_space<hbm>> -> memref<100000x56xf32, #tpu.memory_space<hbm>>
      tpu.enqueue_indirect_dma source(%dma_start3A_58 : memref<100000x56xf32, #tpu.memory_space<hbm>>) target(%dma_start3A_52 : memref<128x56xf32, #tpu.memory_space<vmem>>) offsets(%dma_start3A_55 : memref<128xi32, #tpu.memory_space<vmem>>) semaphore(%arg10 : memref<!tpu.dma_semaphore, #tpu.memory_space<semaphore_mem>>)
      %mul3A_59 = arith.constant 8 : i32
      %mul3A_60 = arith.muli %scan3A_7, %mul3A_59 : i32
      %add3A_61 = arith.constant 4 : i32
      %add3A_62 = arith.addi %mul3A_60, %add3A_61 : i32
      %dma_start3A_63 = arith.constant 512 : i32
      %dma_start3A_64 = arith.constant 0 : i32
      %dma_start3A_65 = tpu.memref_slice %arg6[%dma_start3A_63, %dma_start3A_64] : memref<1024x56xf32, #tpu.memory_space<vmem>> -> memref<128x56xf32, #tpu.memory_space<vmem>>
      %dma_start3A_66 = arith.constant 0 : i32
      %dma_start3A_67 = tpu.memref_slice %arg5[%add3A_62, %dma_start3A_66] : memref<200x128xi32, #tpu.memory_space<vmem>> -> memref<1x128xi32, #tpu.memory_space<vmem>>
      %dma_start3A_68 = tpu.memref_squeeze %dma_start3A_67 : memref<1x128xi32, #tpu.memory_space<vmem>> -> memref<128xi32, #tpu.memory_space<vmem>>
      %dma_start3A_69 = arith.constant 0 : i32
      %dma_start3A_70 = arith.constant 0 : i32
      %dma_start3A_71 = tpu.memref_slice %arg3[%dma_start3A_69, %dma_start3A_70] : memref<100000x56xf32, #tpu.memory_space<hbm>> -> memref<100000x56xf32, #tpu.memory_space<hbm>>
      tpu.enqueue_indirect_dma source(%dma_start3A_71 : memref<100000x56xf32, #tpu.memory_space<hbm>>) target(%dma_start3A_65 : memref<128x56xf32, #tpu.memory_space<vmem>>) offsets(%dma_start3A_68 : memref<128xi32, #tpu.memory_space<vmem>>) semaphore(%arg11 : memref<!tpu.dma_semaphore, #tpu.memory_space<semaphore_mem>>)
      %mul3A_72 = arith.constant 8 : i32
      %mul3A_73 = arith.muli %scan3A_7, %mul3A_72 : i32
      %add3A_74 = arith.constant 5 : i32
      %add3A_75 = arith.addi %mul3A_73, %add3A_74 : i32
      %dma_start3A_76 = arith.constant 640 : i32
      %dma_start3A_77 = arith.constant 0 : i32
      %dma_start3A_78 = tpu.memref_slice %arg6[%dma_start3A_76, %dma_start3A_77] : memref<1024x56xf32, #tpu.memory_space<vmem>> -> memref<128x56xf32, #tpu.memory_space<vmem>>
      %dma_start3A_79 = arith.constant 0 : i32
      %dma_start3A_80 = tpu.memref_slice %arg5[%add3A_75, %dma_start3A_79] : memref<200x128xi32, #tpu.memory_space<vmem>> -> memref<1x128xi32, #tpu.memory_space<vmem>>
      %dma_start3A_81 = tpu.memref_squeeze %dma_start3A_80 : memref<1x128xi32, #tpu.memory_space<vmem>> -> memref<128xi32, #tpu.memory_space<vmem>>
      %dma_start3A_82 = arith.constant 0 : i32
      %dma_start3A_83 = arith.constant 0 : i32
      %dma_start3A_84 = tpu.memref_slice %arg3[%dma_start3A_82, %dma_start3A_83] : memref<100000x56xf32, #tpu.memory_space<hbm>> -> memref<100000x56xf32, #tpu.memory_space<hbm>>
      tpu.enqueue_indirect_dma source(%dma_start3A_84 : memref<100000x56xf32, #tpu.memory_space<hbm>>) target(%dma_start3A_78 : memref<128x56xf32, #tpu.memory_space<vmem>>) offsets(%dma_start3A_81 : memref<128xi32, #tpu.memory_space<vmem>>) semaphore(%arg12 : memref<!tpu.dma_semaphore, #tpu.memory_space<semaphore_mem>>)
      %mul3A_85 = arith.constant 8 : i32
      %mul3A_86 = arith.muli %scan3A_7, %mul3A_85 : i32
      %add3A_87 = arith.constant 6 : i32
      %add3A_88 = arith.addi %mul3A_86, %add3A_87 : i32
      %dma_start3A_89 = arith.constant 768 : i32
      %dma_start3A_90 = arith.constant 0 : i32
      %dma_start3A_91 = tpu.memref_slice %arg6[%dma_start3A_89, %dma_start3A_90] : memref<1024x56xf32, #tpu.memory_space<vmem>> -> memref<128x56xf32, #tpu.memory_space<vmem>>
      %dma_start3A_92 = arith.constant 0 : i32
      %dma_start3A_93 = tpu.memref_slice %arg5[%add3A_88, %dma_start3A_92] : memref<200x128xi32, #tpu.memory_space<vmem>> -> memref<1x128xi32, #tpu.memory_space<vmem>>
      %dma_start3A_94 = tpu.memref_squeeze %dma_start3A_93 : memref<1x128xi32, #tpu.memory_space<vmem>> -> memref<128xi32, #tpu.memory_space<vmem>>
      %dma_start3A_95 = arith.constant 0 : i32
      %dma_start3A_96 = arith.constant 0 : i32
      %dma_start3A_97 = tpu.memref_slice %arg3[%dma_start3A_95, %dma_start3A_96] : memref<100000x56xf32, #tpu.memory_space<hbm>> -> memref<100000x56xf32, #tpu.memory_space<hbm>>
      tpu.enqueue_indirect_dma source(%dma_start3A_97 : memref<100000x56xf32, #tpu.memory_space<hbm>>) target(%dma_start3A_91 : memref<128x56xf32, #tpu.memory_space<vmem>>) offsets(%dma_start3A_94 : memref<128xi32, #tpu.memory_space<vmem>>) semaphore(%arg13 : memref<!tpu.dma_semaphore, #tpu.memory_space<semaphore_mem>>)
      %mul3A_98 = arith.constant 8 : i32
      %mul3A_99 = arith.muli %scan3A_7, %mul3A_98 : i32
      %add3A_100 = arith.constant 7 : i32
      %add3A_101 = arith.addi %mul3A_99, %add3A_100 : i32
      %dma_start3A_102 = arith.constant 896 : i32
      %dma_start3A_103 = arith.constant 0 : i32
      %dma_start3A_104 = tpu.memref_slice %arg6[%dma_start3A_102, %dma_start3A_103] : memref<1024x56xf32, #tpu.memory_space<vmem>> -> memref<128x56xf32, #tpu.memory_space<vmem>>
      %dma_start3A_105 = arith.constant 0 : i32
      %dma_start3A_106 = tpu.memref_slice %arg5[%add3A_101, %dma_start3A_105] : memref<200x128xi32, #tpu.memory_space<vmem>> -> memref<1x128xi32, #tpu.memory_space<vmem>>
      %dma_start3A_107 = tpu.memref_squeeze %dma_start3A_106 : memref<1x128xi32, #tpu.memory_space<vmem>> -> memref<128xi32, #tpu.memory_space<vmem>>
      %dma_start3A_108 = arith.constant 0 : i32
      %dma_start3A_109 = arith.constant 0 : i32
      %dma_start3A_110 = tpu.memref_slice %arg3[%dma_start3A_108, %dma_start3A_109] : memref<100000x56xf32, #tpu.memory_space<hbm>> -> memref<100000x56xf32, #tpu.memory_space<hbm>>
      tpu.enqueue_indirect_dma source(%dma_start3A_110 : memref<100000x56xf32, #tpu.memory_space<hbm>>) target(%dma_start3A_104 : memref<128x56xf32, #tpu.memory_space<vmem>>) offsets(%dma_start3A_107 : memref<128xi32, #tpu.memory_space<vmem>>) semaphore(%arg14 : memref<!tpu.dma_semaphore, #tpu.memory_space<semaphore_mem>>)
      %dma_wait3A = arith.constant 0 : i32
      %dma_wait3A_111 = arith.constant 0 : i32
      %dma_wait3A_112 = tpu.memref_slice %arg6[%dma_wait3A, %dma_wait3A_111] : memref<1024x56xf32, #tpu.memory_space<vmem>> -> memref<128x56xf32, #tpu.memory_space<vmem>>
      %dma_wait3A_113 = arith.constant 0 : i32
      %dma_wait3A_114 = tpu.memref_slice %arg5[%add3A_11, %dma_wait3A_113] : memref<200x128xi32, #tpu.memory_space<vmem>> -> memref<1x128xi32, #tpu.memory_space<vmem>>
      %dma_wait3A_115 = tpu.memref_squeeze %dma_wait3A_114 : memref<1x128xi32, #tpu.memory_space<vmem>> -> memref<128xi32, #tpu.memory_space<vmem>>
      %dma_wait3A_116 = arith.constant 0 : i32
      %dma_wait3A_117 = arith.constant 0 : i32
      %dma_wait3A_118 = tpu.memref_slice %arg3[%dma_wait3A_116, %dma_wait3A_117] : memref<100000x56xf32, #tpu.memory_space<hbm>> -> memref<100000x56xf32, #tpu.memory_space<hbm>>
      tpu.wait_indirect_dma semaphore(%arg7 : memref<!tpu.dma_semaphore, #tpu.memory_space<semaphore_mem>>) src(%dma_wait3A_118 : memref<100000x56xf32, #tpu.memory_space<hbm>>) dst(%dma_wait3A_112 : memref<128x56xf32, #tpu.memory_space<vmem>>)
      %dma_wait3A_119 = arith.constant 128 : i32
      %dma_wait3A_120 = arith.constant 0 : i32
      %dma_wait3A_121 = tpu.memref_slice %arg6[%dma_wait3A_119, %dma_wait3A_120] : memref<1024x56xf32, #tpu.memory_space<vmem>> -> memref<128x56xf32, #tpu.memory_space<vmem>>
      %dma_wait3A_122 = arith.constant 0 : i32
      %dma_wait3A_123 = tpu.memref_slice %arg5[%add3A_23, %dma_wait3A_122] : memref<200x128xi32, #tpu.memory_space<vmem>> -> memref<1x128xi32, #tpu.memory_space<vmem>>
      %dma_wait3A_124 = tpu.memref_squeeze %dma_wait3A_123 : memref<1x128xi32, #tpu.memory_space<vmem>> -> memref<128xi32, #tpu.memory_space<vmem>>
      %dma_wait3A_125 = arith.constant 0 : i32
      %dma_wait3A_126 = arith.constant 0 : i32
      %dma_wait3A_127 = tpu.memref_slice %arg3[%dma_wait3A_125, %dma_wait3A_126] : memref<100000x56xf32, #tpu.memory_space<hbm>> -> memref<100000x56xf32, #tpu.memory_space<hbm>>
      tpu.wait_indirect_dma semaphore(%arg8 : memref<!tpu.dma_semaphore, #tpu.memory_space<semaphore_mem>>) src(%dma_wait3A_127 : memref<100000x56xf32, #tpu.memory_space<hbm>>) dst(%dma_wait3A_121 : memref<128x56xf32, #tpu.memory_space<vmem>>)
      %dma_wait3A_128 = arith.constant 256 : i32
      %dma_wait3A_129 = arith.constant 0 : i32
      %dma_wait3A_130 = tpu.memref_slice %arg6[%dma_wait3A_128, %dma_wait3A_129] : memref<1024x56xf32, #tpu.memory_space<vmem>> -> memref<128x56xf32, #tpu.memory_space<vmem>>
      %dma_wait3A_131 = arith.constant 0 : i32
      %dma_wait3A_132 = tpu.memref_slice %arg5[%add3A_36, %dma_wait3A_131] : memref<200x128xi32, #tpu.memory_space<vmem>> -> memref<1x128xi32, #tpu.memory_space<vmem>>
      %dma_wait3A_133 = tpu.memref_squeeze %dma_wait3A_132 : memref<1x128xi32, #tpu.memory_space<vmem>> -> memref<128xi32, #tpu.memory_space<vmem>>
      %dma_wait3A_134 = arith.constant 0 : i32
      %dma_wait3A_135 = arith.constant 0 : i32
      %dma_wait3A_136 = tpu.memref_slice %arg3[%dma_wait3A_134, %dma_wait3A_135] : memref<100000x56xf32, #tpu.memory_space<hbm>> -> memref<100000x56xf32, #tpu.memory_space<hbm>>
      tpu.wait_indirect_dma semaphore(%arg9 : memref<!tpu.dma_semaphore, #tpu.memory_space<semaphore_mem>>) src(%dma_wait3A_136 : memref<100000x56xf32, #tpu.memory_space<hbm>>) dst(%dma_wait3A_130 : memref<128x56xf32, #tpu.memory_space<vmem>>)
      %dma_wait3A_137 = arith.constant 384 : i32
      %dma_wait3A_138 = arith.constant 0 : i32
      %dma_wait3A_139 = tpu.memref_slice %arg6[%dma_wait3A_137, %dma_wait3A_138] : memref<1024x56xf32, #tpu.memory_space<vmem>> -> memref<128x56xf32, #tpu.memory_space<vmem>>
      %dma_wait3A_140 = arith.constant 0 : i32
      %dma_wait3A_141 = tpu.memref_slice %arg5[%add3A_49, %dma_wait3A_140] : memref<200x128xi32, #tpu.memory_space<vmem>> -> memref<1x128xi32, #tpu.memory_space<vmem>>
      %dma_wait3A_142 = tpu.memref_squeeze %dma_wait3A_141 : memref<1x128xi32, #tpu.memory_space<vmem>> -> memref<128xi32, #tpu.memory_space<vmem>>
      %dma_wait3A_143 = arith.constant 0 : i32
      %dma_wait3A_144 = arith.constant 0 : i32
      %dma_wait3A_145 = tpu.memref_slice %arg3[%dma_wait3A_143, %dma_wait3A_144] : memref<100000x56xf32, #tpu.memory_space<hbm>> -> memref<100000x56xf32, #tpu.memory_space<hbm>>
      tpu.wait_indirect_dma semaphore(%arg10 : memref<!tpu.dma_semaphore, #tpu.memory_space<semaphore_mem>>) src(%dma_wait3A_145 : memref<100000x56xf32, #tpu.memory_space<hbm>>) dst(%dma_wait3A_139 : memref<128x56xf32, #tpu.memory_space<vmem>>)
      %dma_wait3A_146 = arith.constant 512 : i32
      %dma_wait3A_147 = arith.constant 0 : i32
      %dma_wait3A_148 = tpu.memref_slice %arg6[%dma_wait3A_146, %dma_wait3A_147] : memref<1024x56xf32, #tpu.memory_space<vmem>> -> memref<128x56xf32, #tpu.memory_space<vmem>>
      %dma_wait3A_149 = arith.constant 0 : i32
      %dma_wait3A_150 = tpu.memref_slice %arg5[%add3A_62, %dma_wait3A_149] : memref<200x128xi32, #tpu.memory_space<vmem>> -> memref<1x128xi32, #tpu.memory_space<vmem>>
      %dma_wait3A_151 = tpu.memref_squeeze %dma_wait3A_150 : memref<1x128xi32, #tpu.memory_space<vmem>> -> memref<128xi32, #tpu.memory_space<vmem>>
      %dma_wait3A_152 = arith.constant 0 : i32
      %dma_wait3A_153 = arith.constant 0 : i32
      %dma_wait3A_154 = tpu.memref_slice %arg3[%dma_wait3A_152, %dma_wait3A_153] : memref<100000x56xf32, #tpu.memory_space<hbm>> -> memref<100000x56xf32, #tpu.memory_space<hbm>>
      tpu.wait_indirect_dma semaphore(%arg11 : memref<!tpu.dma_semaphore, #tpu.memory_space<semaphore_mem>>) src(%dma_wait3A_154 : memref<100000x56xf32, #tpu.memory_space<hbm>>) dst(%dma_wait3A_148 : memref<128x56xf32, #tpu.memory_space<vmem>>)
      %dma_wait3A_155 = arith.constant 640 : i32
      %dma_wait3A_156 = arith.constant 0 : i32
      %dma_wait3A_157 = tpu.memref_slice %arg6[%dma_wait3A_155, %dma_wait3A_156] : memref<1024x56xf32, #tpu.memory_space<vmem>> -> memref<128x56xf32, #tpu.memory_space<vmem>>
      %dma_wait3A_158 = arith.constant 0 : i32
      %dma_wait3A_159 = tpu.memref_slice %arg5[%add3A_75, %dma_wait3A_158] : memref<200x128xi32, #tpu.memory_space<vmem>> -> memref<1x128xi32, #tpu.memory_space<vmem>>
      %dma_wait3A_160 = tpu.memref_squeeze %dma_wait3A_159 : memref<1x128xi32, #tpu.memory_space<vmem>> -> memref<128xi32, #tpu.memory_space<vmem>>
      %dma_wait3A_161 = arith.constant 0 : i32
      %dma_wait3A_162 = arith.constant 0 : i32
      %dma_wait3A_163 = tpu.memref_slice %arg3[%dma_wait3A_161, %dma_wait3A_162] : memref<100000x56xf32, #tpu.memory_space<hbm>> -> memref<100000x56xf32, #tpu.memory_space<hbm>>
      tpu.wait_indirect_dma semaphore(%arg12 : memref<!tpu.dma_semaphore, #tpu.memory_space<semaphore_mem>>) src(%dma_wait3A_163 : memref<100000x56xf32, #tpu.memory_space<hbm>>) dst(%dma_wait3A_157 : memref<128x56xf32, #tpu.memory_space<vmem>>)
      %dma_wait3A_164 = arith.constant 768 : i32
      %dma_wait3A_165 = arith.constant 0 : i32
      %dma_wait3A_166 = tpu.memref_slice %arg6[%dma_wait3A_164, %dma_wait3A_165] : memref<1024x56xf32, #tpu.memory_space<vmem>> -> memref<128x56xf32, #tpu.memory_space<vmem>>
      %dma_wait3A_167 = arith.constant 0 : i32
      %dma_wait3A_168 = tpu.memref_slice %arg5[%add3A_88, %dma_wait3A_167] : memref<200x128xi32, #tpu.memory_space<vmem>> -> memref<1x128xi32, #tpu.memory_space<vmem>>
      %dma_wait3A_169 = tpu.memref_squeeze %dma_wait3A_168 : memref<1x128xi32, #tpu.memory_space<vmem>> -> memref<128xi32, #tpu.memory_space<vmem>>
      %dma_wait3A_170 = arith.constant 0 : i32
      %dma_wait3A_171 = arith.constant 0 : i32
      %dma_wait3A_172 = tpu.memref_slice %arg3[%dma_wait3A_170, %dma_wait3A_171] : memref<100000x56xf32, #tpu.memory_space<hbm>> -> memref<100000x56xf32, #tpu.memory_space<hbm>>
      tpu.wait_indirect_dma semaphore(%arg13 : memref<!tpu.dma_semaphore, #tpu.memory_space<semaphore_mem>>) src(%dma_wait3A_172 : memref<100000x56xf32, #tpu.memory_space<hbm>>) dst(%dma_wait3A_166 : memref<128x56xf32, #tpu.memory_space<vmem>>)
      %dma_wait3A_173 = arith.constant 896 : i32
      %dma_wait3A_174 = arith.constant 0 : i32
      %dma_wait3A_175 = tpu.memref_slice %arg6[%dma_wait3A_173, %dma_wait3A_174] : memref<1024x56xf32, #tpu.memory_space<vmem>> -> memref<128x56xf32, #tpu.memory_space<vmem>>
      %dma_wait3A_176 = arith.constant 0 : i32
      %dma_wait3A_177 = tpu.memref_slice %arg5[%add3A_101, %dma_wait3A_176] : memref<200x128xi32, #tpu.memory_space<vmem>> -> memref<1x128xi32, #tpu.memory_space<vmem>>
      %dma_wait3A_178 = tpu.memref_squeeze %dma_wait3A_177 : memref<1x128xi32, #tpu.memory_space<vmem>> -> memref<128xi32, #tpu.memory_space<vmem>>
      %dma_wait3A_179 = arith.constant 0 : i32
      %dma_wait3A_180 = arith.constant 0 : i32
      %dma_wait3A_181 = tpu.memref_slice %arg3[%dma_wait3A_179, %dma_wait3A_180] : memref<100000x56xf32, #tpu.memory_space<hbm>> -> memref<100000x56xf32, #tpu.memory_space<hbm>>
      tpu.wait_indirect_dma semaphore(%arg14 : memref<!tpu.dma_semaphore, #tpu.memory_space<semaphore_mem>>) src(%dma_wait3A_181 : memref<100000x56xf32, #tpu.memory_space<hbm>>) dst(%dma_wait3A_175 : memref<128x56xf32, #tpu.memory_space<vmem>>)
      %mul3A_182 = arith.constant 25600 : i32
      %mul3A_183 = arith.muli %add3A, %mul3A_182 : i32
      %mul3A_184 = arith.constant 1024 : i32
      %mul3A_185 = arith.muli %scan3A_7, %mul3A_184 : i32
      %add3A_186 = arith.addi %mul3A_183, %mul3A_185 : i32
      "tpu.region"() ({
        %run_scoped3A = tpu.sem_alloc : memref<!tpu.dma_semaphore, #tpu.memory_space<semaphore_mem>>
        %dma_start3A_187 = arith.constant 0 : i32
        %dma_start3A_188 = tpu.memref_slice %arg4[%add3A_186, %dma_start3A_187] : memref<819200x56xf32, #tpu.memory_space<hbm>> -> memref<1024x56xf32, #tpu.memory_space<hbm>>
        %dma_start3A_189 = arith.constant 0 : i32
        %dma_start3A_190 = tpu.memref_slice %arg4[%add3A_186, %dma_start3A_189] : memref<819200x56xf32, #tpu.memory_space<hbm>> -> memref<1024x56xf32, #tpu.memory_space<hbm>>
        tpu.enqueue_dma source(%arg6 : memref<1024x56xf32, #tpu.memory_space<vmem>>) target(%dma_start3A_190 : memref<1024x56xf32, #tpu.memory_space<hbm>>) target_semaphore(%run_scoped3A : memref<!tpu.dma_semaphore, #tpu.memory_space<semaphore_mem>>)
        %dma_wait3A_191 = arith.constant 0 : i32
        %dma_wait3A_192 = tpu.memref_slice %arg4[%add3A_186, %dma_wait3A_191] : memref<819200x56xf32, #tpu.memory_space<hbm>> -> memref<1024x56xf32, #tpu.memory_space<hbm>>
        %dma_wait3A_193 = arith.constant 0 : i32
        %dma_wait3A_194 = tpu.memref_slice %arg4[%add3A_186, %dma_wait3A_193] : memref<819200x56xf32, #tpu.memory_space<hbm>> -> memref<1024x56xf32, #tpu.memory_space<hbm>>
        tpu.wait_dma2 semaphore(%run_scoped3A : memref<!tpu.dma_semaphore, #tpu.memory_space<semaphore_mem>>) src(%arg6 : memref<1024x56xf32, #tpu.memory_space<vmem>>) dst(%dma_wait3A_194 : memref<1024x56xf32, #tpu.memory_space<hbm>>)
        tpu.yield
      }) : () -> ()
    }
    %scan3A_6 = arith.constant 25 : i32
    return
  }
}

</mosaic_0001>

<sc_bundles>
// kernel: kernel.3.cloned.1.call-start
scs
__scs_entry_jumppad:
0x0: {  	(pc) =	sbr.rel $0x88, $3  }
0x1: {  	(tag) =	ssettag $0x0;
	lr =	simm.s32 $0x1  }
0x2: {  	[smem:$0x3F9F] =	sst lr;
	_ =	strace $0xD0000000  }
0x3: {  	_ = 	snop  }
0x4: {  	_ = 	snop  }
0x5: {  	_ = 	snop  }
0x6: {  	_ = 	snop  }
0x7: {  	_ = 	snop  }
__scs_overlays_trampoline_lowered:
0x8: {  	[smem:$0x3FAE] =	sst s0  }
0x9: {  	[smem:$0x3FAF] =	sst s1  }
0xa: {  	[smem:$0x3FB0] =	sst s2  }
0xb: {  	[smem:$0x3FB1] =	sst s3  }
0xc: {  	[smem:$0x3FB2] =	sst s4  }
0xd: {  	[smem:$0x3FB3] =	sst s5  }
0xe: {  	[smem:$0x3FB4] =	sst s6  }
0xf: {  	[smem:$0x3FB5] =	sst s7  }
0x10: {  	[smem:$0x3FB6] =	sst s8  }
0x11: {  	[smem:$0x3FB7] =	sst s9;
	s0 =	simm.s32 @!p0 $0x0  }
0x12: {  	s1 =	sld [smem:$0x3F9D];
	s0 =	simm.s32 @p0 $0x1  }
0x13: {  	[smem:$0x3FB8] =	sst s0;
	s0 =	simm.s32 @!p1 $0x0  }
0x14: {  	s2 =	sld [smem:$0x3F9C];
	s0 =	simm.s32 @p1 $0x1  }
0x15: {  	[smem:$0x3FB9] =	sst s0;
	s0 =	simm.s32 @!p2 $0x0  }
0x16: {  	s3 =	sld [smem:$0x3FDB];
	s0 =	simm.s32 @p2 $0x1  }
0x17: {  	s4 =	simm.s32 $0x1BF5;
	[smem:$0x3FBB] =	sst s0  }
0x18: {  	s0 =	sld [smem:$0x3F9E];
	_ =	swait.ge [sflag:s4], $0x0  }
0x19: {  	s7 =	sld [smem:$0x3F9F]  }
0x1a: {  	s8 =	sadd.s32 $0xFFFFE003, lr  }
0x1b: {  	s9 =	sadd.s32 $0xFFFFFEF7, lr;
	s5 =	simm.s32 $0xFFFFFFFF;
	p2 =	slt.u32 s8, $0xFFFFF086  }
0x1c: {  	p1 =	slt.u32 s9, $0xF7A;
	s5 =	simm.s32 @!p2 $0x0  }
0x1d: {  	s5 =	simm.s32 @p1 $0x1;
	p0 =	seq.s32 s7, s2  }
0x1e: {  	s7 =	smul.u32 @!p0 $0xF7A, s2;
	p2 =	seq.s32 @!p0 s5, $0x0  }
0x1f: {  	s9 =	smul.u32 $0xF7A, s1;
	s8 =	simm.s32 @!p0 $0x1BF5;
	p2 =	por !p2, p0  }
0x20: {  	[sflag:s8] =	ssyncset.s32 @!p0 $0xFFFFF086;
	s6 =	sadd.s32 @!p0 s3, s7;
	s7 =	simm.s32 @!p0 $0x108  }
0x21: {  	s3 =	sadd.s32 s3, s9;
	s6 =	sadd.s32 @!p0 $0x88, s6;
	s7 =	simm.s32 @p2 $0x1082  }
0x22: {  	[simem:s7], [sflag:s8] =	dma.local @!p0 [hbm:s6], $0xF7A  }
0x23: {  	s9 =	sor.u32 $0xD0000000, s2;
	s6 =	simm.s32 $0x108;
	_ =	swait.ge @!p0 [sflag:s8], $0x0  }
0x24: {  	s3 =	sadd.s32 $0x88, s3;
	s6 =	simm.s32 @!p1 $0x1082;
	[sflag:s4] =	ssyncset.s32 $0xFFFFF086  }
0x25: {  	[simem:s6], [sflag:s4] =	dma.local [hbm:s3], $0xF7A  }
0x26: {  	[smem:$0x3F9F] =	sst s1;
	(tag) =	ssettag s2;
	_ =	strace s9  }
0x27: {  	s1 =	sld [smem:$0x3FAF]  }
0x28: {  	s2 =	sld [smem:$0x3FB0]  }
0x29: {  	s4 =	sld [smem:$0x3FB2]  }
0x2a: {  	p0 =	seq.s32 s5, $0x0;
	s5 =	sld [smem:$0x3FB3]  }
0x2b: {  	s6 =	sld [smem:$0x3FB4]  }
0x2c: {  	s7 =	sld [smem:$0x3FB5]  }
0x2d: {  	s3 =	simm.s32 $0x108;
	s8 =	sld [smem:$0x3FB6]  }
0x2e: {  	s3 =	simm.s32 @!p0 $0x1082;
	s9 =	sld [smem:$0x3FB7]  }
0x2f: {  	lr =	sadd.s32 s0, s3;
	s0 =	sld [smem:$0x3FAE]  }
0x30: {  	s3 =	sld [smem:$0x3FB1]  }
0x31: {  	[smem:$0x3FBA] =	sst s10  }
0x32: {  	s10 =	sld [smem:$0x3FB8];
	_ =	sdelay $0x3  }
0x33: {  	p0 =	seq.s32 s10, $0x1;
	s10 =	sld [smem:$0x3FBA];
	_ =	sdelay $0x3  }
0x34: {  	[smem:$0x3FBA] =	sst s10  }
0x35: {  	s10 =	sld [smem:$0x3FB9];
	_ =	sdelay $0x3  }
0x36: {  	p1 =	seq.s32 s10, $0x1;
	s10 =	sld [smem:$0x3FBA];
	_ =	sdelay $0x3  }
0x37: {  	[smem:$0x3FBA] =	sst s10  }
0x38: {  	s10 =	sld [smem:$0x3FBB]  }
0x39: {  	_ = 	snop;
	(pc) =	sbr.ind lr, $3  }
0x3a: {  	_ = 	snop  }
0x3b: {  	_ = 	snop  }
0x3c: {  	p2 =	seq.s32 s10, $0x1;
	s10 =	sld [smem:$0x3FBA]  }
0x3d: {  	_ =	shalt  }
0x3e: {  	_ =	shalt  }
0x3f: {  	_ =	shalt  }
0x40: {  	_ =	shalt  }
0x41: {  	_ =	shalt  }
0x42: {  	_ =	shalt  }
0x43: {  	_ =	shalt  }
0x44: {  	_ =	shalt  }
0x45: {  	_ =	shalt  }
0x46: {  	_ =	shalt  }
0x47: {  	_ =	shalt  }
0x48: {  	_ =	shalt  }
0x49: {  	_ =	shalt  }
0x4a: {  	_ =	shalt  }
0x4b: {  	_ =	shalt  }
0x4c: {  	_ =	shalt  }
0x4d: {  	_ =	shalt  }
0x4e: {  	_ =	shalt  }
0x4f: {  	_ =	shalt  }
0x50: {  	_ =	shalt  }
0x51: {  	_ =	shalt  }
0x52: {  	_ =	shalt  }
0x53: {  	_ =	shalt  }
0x54: {  	_ =	shalt  }
0x55: {  	_ =	shalt  }
0x56: {  	_ =	shalt  }
0x57: {  	_ =	shalt  }
0x58: {  	_ =	shalt  }
0x59: {  	_ =	shalt  }
0x5a: {  	_ =	shalt  }
0x5b: {  	_ =	shalt  }
0x5c: {  	_ =	shalt  }
0x5d: {  	_ =	shalt  }
0x5e: {  	_ =	shalt  }
0x5f: {  	_ =	shalt  }
0x60: {  	_ =	shalt  }
0x61: {  	_ =	shalt  }
0x62: {  	_ =	shalt  }
0x63: {  	_ =	shalt  }
0x64: {  	_ =	shalt  }
0x65: {  	_ =	shalt  }
0x66: {  	_ =	shalt  }
0x67: {  	_ =	shalt  }
0x68: {  	_ =	shalt  }
0x69: {  	_ =	shalt  }
0x6a: {  	_ =	shalt  }
0x6b: {  	_ =	shalt  }
0x6c: {  	_ =	shalt  }
0x6d: {  	_ =	shalt  }
0x6e: {  	_ =	shalt  }
0x6f: {  	_ =	shalt  }
0x70: {  	_ =	shalt  }
0x71: {  	_ =	shalt  }
0x72: {  	_ =	shalt  }
0x73: {  	_ =	shalt  }
0x74: {  	_ =	shalt  }
0x75: {  	_ =	shalt  }
0x76: {  	_ =	shalt  }
0x77: {  	_ =	shalt  }
0x78: {  	_ =	shalt  }
0x79: {  	_ =	shalt  }
0x7a: {  	_ =	shalt  }
0x7b: {  	_ =	shalt  }
0x7c: {  	_ =	shalt  }
0x7d: {  	_ =	shalt  }
0x7e: {  	_ =	shalt  }
0x7f: {  	_ =	shalt  }
0x80: {  	_ =	shalt  }
0x81: {  	_ =	shalt  }
0x82: {  	_ =	shalt  }
0x83: {  	_ =	shalt  }
0x84: {  	_ =	shalt  }
0x85: {  	_ =	shalt  }
0x86: {  	_ =	shalt  }
0x87: {  	_ =	shalt  }
.Lfunc_end0:
.L_simem_size_0:
called_computation.1_lowered:
.L_overlay_start_0:
0x88: {  	s2 =	sld [smem:$0x3FD9]  }
0x89: {  	s3 =	sld [smem:$0x3FFE];
	_ =	sdelay $0x1  }
0x8a: {  	s1 =	srdreg.scid  }
0x8b: {  	s0 =	sand.u32 $0x1, s1  }
0x8c: {  	s17 =	sshll.u32 s0, $0xA;
	s2 =	sadd.s32 s3, s2  }
0x8d: {  	s2 =	sadd.s32 s2, s17  }
0x8e: {  	[smem:$0x3FC6] =	sst s2  }
0x8f: {  	_ = 	snop  }
0x90: {  	s2 =	sld [smem:$0x3FD0];
	(tm) =	ssettm $0x1  }
0x91: {  	s18 =	sld [smem:$0x3FFB];
	_ =	sdelay $0x3  }
0x92: {  	_ =	strace s18  }
0x93: {  	s3 =	sld [smem:$0x3FFC];
	_ =	sdelay $0x3  }
0x94: {  	_ =	strace s3  }
0x95: {  	s3 =	sld [smem:$0x3FFD];
	_ =	sdelay $0x3  }
0x96: {  	_ =	strace s3  }
0x97: {  	_ =	strace $0x8FFFFFFF  }
0x98: {  	s19 =	sld [smem:$0x3FDB];
	_ =	sdelay $0x1  }
0x99: {  	s4 =	simm.s32 $_scs_section_size  }
0x9a: {  	s5 =	simm.s32 $_size__tile_overlayer_lowered;
	s6 =	simm.s32 $_tile_overlayer_lowered  }
0x9b: {  	s22 =	simm.s32 $0x1BFF;
	s21 =	sshll.u32 s6, $0x1;
	s3 =	sadd.s32 s4, s19  }
0x9c: {  	s7 =	simm.s32 $0x0;
	s20 =	sshll.u32 s5, $0x1;
	s5 =	sadd.s32 s21, s3  }
0x9d: {  	[timem:s7], [sflag:s22] =	dma.local [hbm:s5], s20  }
0x9e: {  	_ =	swait.ge [sflag:s22], s20  }
0x9f: {  	s4 =	ssub.s32 $0x0, s20;
	[sflag:s22] =	ssyncset.done $0x0  }
0xa0: {  	[sflag:s22] =	ssyncadd.s32 s4;
	_ =	sdelay $0x1  }
0xa1: {  	s23 =	simm.s32 $0x1B8B  }
0xa2: {  	_ =	swait.ge [sflag:s23], $0x1  }
0xa3: {  	[sflag:s23] =	ssyncset.done $0x0  }
0xa4: {  	s25 =	simm.s32 $0x1B8E;
	s24 =	sld [smem:$0x3FFE];
	[sflag:s23] =	ssyncadd.s32 $0xFFFFFFFF  }
0xa5: {  	s26 =	simm.s32 $execute0_lowered;
	[smem:$0x3FD2] =	sst s25  }
0xa6: {  	s5 =	sshll.u32 s26, $0x1;
	_ =	strace $0x80000046;
	[dreg:$0x1] =	wrdreg $0xFFFFFFFF  }
0xa7: {  	s28 =	simm.s32 $_size_execute0_lowered;
	s3 =	sadd.s32 s3, s5;
	[dreg:$0x0] =	wrdreg $0x0  }
0xa8: {  	s5 =	sshll.u32 s28, $0x1;
	[dreg:$0x2] =	wrdreg s3  }
0xa9: {  	[dreg:$0x3] =	wrdreg s5  }
0xaa: {  	[dreg:$0x4] =	wrdreg $0xC0  }
0xab: {  	_ =	task [dreg:s7], $0x5FFFF  }
0xac: {  	[dreg:$0x1] =	wrdreg $0xFFFFFFFF  }
0xad: {  	[dreg:$0x0] =	wrdreg $0x60  }
0xae: {  	[dreg:$0x2] =	wrdreg s24  }
0xaf: {  	[dreg:$0x3] =	wrdreg s2  }
0xb0: {  	[dreg:$0x4] =	wrdreg $0x9  }
0xb1: {  	_ =	task.clear_ibuf [dreg:s7], $0x5FFFF;
	_ =	strace $0x90000046  }
0xb2: {  	s29 =	simm.s32 $0x9;
	_ =	strace $0x80000048  }
0xb3: {  	_ =	swait.ge [sflag:s29], $0x1  }
0xb4: {  	[sflag:s29] =	ssyncadd.s32 $0xFFFFFFFF  }
0xb5: {  	_ =	strace $0x90000048  }
0xb6: {  	_ =	sfence  }
0xb7: {  	s30 =	sld [smem:$0x0];
	_ =	sdelay $0x2  }
0xb8: {  	s31 =	sshll.u32 s1, $0xD;
	s1 =	sshrl.u32 s1, $0x2  }
0xb9: {  	s3 =	sand.u32 $0x4000, s31;
	s1 =	sadd.s32 s1, s30  }
0xba: {  	s0 =	sor.u32 s3, s0;
	s1 =	sshll.u32 s1, $0x11  }
0xbb: {  	s0 =	sor.u32 s1, s0  }
0xbc: {  	s0 =	sadd.s32 $0x8F2B, s0  }
0xbd: {  	[sflag:s0] =	ssyncadd.remote.s32 $0x1  }
0xbe: {  	_ =	sfence.sel $0xFFFF  }
0xbf: {  	[dreg:$0x0] =	wrdreg $0xFFFFFFFF;
	(pc) =	sbr.abs _section_cstart, $3  }
0xc0: {  	[dreg:$0x1] =	wrdreg $0xFFFFFFFF  }
0xc1: {  	_ =	task.clear_ibuf [dreg:s7], $0x2FFFF;
	_ =	strace $0x9FFFFFFF  }
0xc2: {  	(tm) =	ssettm $0x7FFFFFFF  }
0xc3: {  	_ =	shalt  }
tec
execute0_lowered:
.L_overlay_start_1:
0x0: {  	(tag) =	ssettag $0x1  }
0x1: {  	s3 =	rddreg [dreg:$0x0]  }
0x2: {  	s1 =	srdreg.scid;
	s0 =	stileid.u32  }
0x3: {  	s5 =	rddreg [dreg:$0x1];
	s2 =	simm.s32 $0x0;
	s11 =	simm.s32 $0x9C00  }
0x4: {  	s12 =	simm.s32 $0xB800;
	s13 =	simm.s32 $0xD400;
	s14 =	simm.s32 $0xF000  }
0x5: {  	s15 =	simm.s32 $0x10C00;
	s16 =	simm.s32 $0x12800;
	s17 =	simm.s32 $0x1  }
0x6: {  	s18 =	simm.s32 $0x2;
	s19 =	simm.s32 $0x3;
	s20 =	simm.s32 $0x4  }
0x7: {  	s21 =	simm.s32 $0x5;
	s22 =	simm.s32 $0x6;
	s23 =	simm.s32 $0x7  }
0x8: {  	s24 =	simm.s32 $0x8;
	s25 =	simm.s32 $0x0;
	s4 =	sand.u32 $0x1, s1  }
0x9: {  	s6 =	sshll.u32 s0, $0x1;
	s1 =	rddreg [dreg:$0x2];
	s8 =	smul.u32 $0x57800, s0  }
0xa: {  	[smem:$0x7FF] =	sst s2;
	s6 =	sor.u32 s4, s6;
	s10 =	smul.u32 $0x2BC00, s4  }
0xb: {  	_ =	strace $0x80000047;
	s7 =	ssub.s32 $0x2, s4;
	s6 =	smul.u32 $0xC80, s6  }
0xc: {  	s9 =	sshrl.u32 s7, $0x1;
	s31 =	sadd.s32 s8, s5;
	s8 =	simm.s32 $0x80  }
0xd: {  	s7 =	ssub.s32 s7, s9;
	s9 =	simm.s32 $0x6400;
	s6 =	sadd.s32 s6, s3  }
0xe: {  	s3 =	sadd.s32 $0x1A0200, s3;
	s5 =	smax.u32 s7, $0x1;
	s7 =	simm.s32 $0x9  }
0xf: {  	s4 =	sadd.s32 $0x800, s6;
	s6 =	sadd.s32 s10, s31;
	s10 =	simm.s32 $0x8000  }
.LBB2_1:
0x10: {  	[tilespmem:s2], [sflag:$0x9] =	stream.linear.gather [hbm4b:s4+s2], $0x6400, $0x38;
	[tilespmem:$0x14400] =	vst v63  }
0x11: {  	_ =	swait.ge [sflag:s7], $0x6400  }
0x12: {  	[sflag:s7] =	ssyncset.done $0x0  }
0x13: {  	s26 =	simm.s32 $0x0;
	[sflag:s7] =	ssyncadd.s32 $0xFFFF9C00  }
0x14: {  	[tilespmem:s9], [sflag:$0x1] =	stream.indirect.gather [hbm4b:s3+s8], $0x38, s26, s8, $0xb8;
	[tilespmem:$0x14400] =	vst v63  }
0x15: {  	s31 =	simm.s32 $0x80  }
0x16: {  	[tilespmem:s10], [sflag:$0x2] =	stream.indirect.gather [hbm4b:s3+s8], $0x38, s31, s8, $0xb8;
	[tilespmem:$0x14400] =	vst v63  }
0x17: {  	s29 =	simm.s32 $0x100  }
0x18: {  	[tilespmem:s11], [sflag:$0x3] =	stream.indirect.gather [hbm4b:s3+s8], $0x38, s29, s8, $0xb8;
	[tilespmem:$0x14400] =	vst v63  }
0x19: {  	s31 =	simm.s32 $0x180  }
0x1a: {  	[tilespmem:s12], [sflag:$0x4] =	stream.indirect.gather [hbm4b:s3+s8], $0x38, s31, s8, $0xb8;
	[tilespmem:$0x14400] =	vst v63  }
0x1b: {  	s29 =	simm.s32 $0x200  }
0x1c: {  	[tilespmem:s13], [sflag:$0x5] =	stream.indirect.gather [hbm4b:s3+s8], $0x38, s29, s8, $0xb8;
	[tilespmem:$0x14400] =	vst v63  }
0x1d: {  	s31 =	simm.s32 $0x280  }
0x1e: {  	[tilespmem:s14], [sflag:$0x6] =	stream.indirect.gather [hbm4b:s3+s8], $0x38, s31, s8, $0xb8;
	[tilespmem:$0x14400] =	vst v63  }
0x1f: {  	s29 =	simm.s32 $0x300  }
0x20: {  	[tilespmem:s15], [sflag:$0x7] =	stream.indirect.gather [hbm4b:s3+s8], $0x38, s29, s8, $0xb8;
	[tilespmem:$0x14400] =	vst v63  }
0x21: {  	s31 =	simm.s32 $0x380  }
0x22: {  	[tilespmem:s16], [sflag:$0x8] =	stream.indirect.gather [hbm4b:s3+s8], $0x38, s31, s8, $0xb8;
	[tilespmem:$0x14400] =	vst v63  }
0x23: {  	_ =	swait.ge [sflag:s17], $0x1C00  }
0x24: {  	[sflag:s17] =	ssyncset.done $0x0  }
0x25: {  	[sflag:s17] =	ssyncadd.s32 $0xFFFFE400  }
0x26: {  	_ =	swait.ge [sflag:s18], $0x1C00  }
0x27: {  	[sflag:s18] =	ssyncset.done $0x0  }
0x28: {  	[sflag:s18] =	ssyncadd.s32 $0xFFFFE400  }
0x29: {  	_ =	swait.ge [sflag:s19], $0x1C00  }
0x2a: {  	[sflag:s19] =	ssyncset.done $0x0  }
0x2b: {  	[sflag:s19] =	ssyncadd.s32 $0xFFFFE400  }
0x2c: {  	_ =	swait.ge [sflag:s20], $0x1C00  }
0x2d: {  	[sflag:s20] =	ssyncset.done $0x0  }
0x2e: {  	[sflag:s20] =	ssyncadd.s32 $0xFFFFE400  }
0x2f: {  	_ =	swait.ge [sflag:s21], $0x1C00  }
0x30: {  	[sflag:s21] =	ssyncset.done $0x0  }
0x31: {  	[sflag:s21] =	ssyncadd.s32 $0xFFFFE400  }
0x32: {  	_ =	swait.ge [sflag:s22], $0x1C00  }
0x33: {  	[sflag:s22] =	ssyncset.done $0x0  }
0x34: {  	[sflag:s22] =	ssyncadd.s32 $0xFFFFE400  }
0x35: {  	_ =	swait.ge [sflag:s23], $0x1C00  }
0x36: {  	[sflag:s23] =	ssyncset.done $0x0  }
0x37: {  	[sflag:s23] =	ssyncadd.s32 $0xFFFFE400  }
0x38: {  	_ =	swait.ge [sflag:s24], $0x1C00  }
0x39: {  	[sflag:s24] =	ssyncset.done $0x0  }
0x3a: {  	[sflag:s24] =	ssyncadd.s32 $0xFFFFE400  }
0x3b: {  	[hbm4b:s6+s2] =	stream.linear.scatter [tilespmem:s9], [sflag:$0x9], $0xE000, $0x38;
	[tilespmem:$0x14400] =	vst v63  }
0x3c: {  	s28 =	simm.s32 $0x1000;
	_ =	swait.ge [sflag:s7], $0xE000  }
0x3d: {  	s30 =	simm.s32 $0x2000;
	s26 =	sadd.s32 $0x1C00, s6;
	[sflag:s7] =	ssyncset.done $0x0  }
.LBB2_2:
0x3e: {  	s31 =	sshra.s32 s28, $0x2  }
0x3f: {  	[sflag:s7] =	ssyncadd.s32 $0xFFFF2000;
	s28 =	smov.u32 s30;
	s29 =	sadd.s32 $0x1000, s30  }
0x40: {  	[tilespmem:s9], [sflag:$0x1] =	stream.indirect.gather [hbm4b:s3+s8], $0x38, s31, s8, $0xb8;
	[tilespmem:$0x14400] =	vst v63  }
0x41: {  	p0 =	sne.s32 s30, $0x18000;
	s30 =	sadd.s32 $0x80, s31  }
0x42: {  	[tilespmem:s10], [sflag:$0x2] =	stream.indirect.gather [hbm4b:s3+s8], $0x38, s30, s8, $0xb8;
	[tilespmem:$0x14400] =	vst v63  }
0x43: {  	s30 =	sadd.s32 $0x100, s31  }
0x44: {  	[tilespmem:s11], [sflag:$0x3] =	stream.indirect.gather [hbm4b:s3+s8], $0x38, s30, s8, $0xb8;
	[tilespmem:$0x14400] =	vst v63  }
0x45: {  	s30 =	sadd.s32 $0x180, s31  }
0x46: {  	[tilespmem:s12], [sflag:$0x4] =	stream.indirect.gather [hbm4b:s3+s8], $0x38, s30, s8, $0xb8;
	[tilespmem:$0x14400] =	vst v63  }
0x47: {  	s30 =	sadd.s32 $0x200, s31  }
0x48: {  	[tilespmem:s13], [sflag:$0x5] =	stream.indirect.gather [hbm4b:s3+s8], $0x38, s30, s8, $0xb8;
	[tilespmem:$0x14400] =	vst v63  }
0x49: {  	s30 =	sadd.s32 $0x280, s31  }
0x4a: {  	[tilespmem:s14], [sflag:$0x6] =	stream.indirect.gather [hbm4b:s3+s8], $0x38, s30, s8, $0xb8;
	[tilespmem:$0x14400] =	vst v63  }
0x4b: {  	s30 =	sadd.s32 $0x300, s31  }
0x4c: {  	[tilespmem:s15], [sflag:$0x7] =	stream.indirect.gather [hbm4b:s3+s8], $0x38, s30, s8, $0xb8;
	[tilespmem:$0x14400] =	vst v63  }
0x4d: {  	s30 =	sadd.s32 $0x380, s31  }
0x4e: {  	[tilespmem:s16], [sflag:$0x8] =	stream.indirect.gather [hbm4b:s3+s8], $0x38, s30, s8, $0xb8;
	[tilespmem:$0x14400] =	vst v63  }
0x4f: {  	_ =	swait.ge [sflag:s17], $0x1C00  }
0x50: {  	[sflag:s17] =	ssyncset.done $0x0  }
0x51: {  	[sflag:s17] =	ssyncadd.s32 $0xFFFFE400  }
0x52: {  	_ =	swait.ge [sflag:s18], $0x1C00  }
0x53: {  	[sflag:s18] =	ssyncset.done $0x0  }
0x54: {  	[sflag:s18] =	ssyncadd.s32 $0xFFFFE400  }
0x55: {  	_ =	swait.ge [sflag:s19], $0x1C00  }
0x56: {  	[sflag:s19] =	ssyncset.done $0x0  }
0x57: {  	[sflag:s19] =	ssyncadd.s32 $0xFFFFE400  }
0x58: {  	_ =	swait.ge [sflag:s20], $0x1C00  }
0x59: {  	[sflag:s20] =	ssyncset.done $0x0  }
0x5a: {  	[sflag:s20] =	ssyncadd.s32 $0xFFFFE400  }
0x5b: {  	_ =	swait.ge [sflag:s21], $0x1C00  }
0x5c: {  	[sflag:s21] =	ssyncset.done $0x0  }
0x5d: {  	[sflag:s21] =	ssyncadd.s32 $0xFFFFE400  }
0x5e: {  	_ =	swait.ge [sflag:s22], $0x1C00  }
0x5f: {  	[sflag:s22] =	ssyncset.done $0x0  }
0x60: {  	[sflag:s22] =	ssyncadd.s32 $0xFFFFE400  }
0x61: {  	_ =	swait.ge [sflag:s23], $0x1C00  }
0x62: {  	[sflag:s23] =	ssyncset.done $0x0  }
0x63: {  	[sflag:s23] =	ssyncadd.s32 $0xFFFFE400  }
0x64: {  	_ =	swait.ge [sflag:s24], $0x1C00  }
.Ltmp0:
0x65: {  	[sflag:s24] =	ssyncset.done $0x0;
	(pc) =	sbr.rel @p0 .LBB2_2-.Ltmp0, $4  }
0x66: {  	[sflag:s24] =	ssyncadd.s32 $0xFFFFE400  }
0x67: {  	[hbm4b:s26+s2] =	stream.linear.scatter [tilespmem:s9], [sflag:$0x9], $0xE000, $0x38;
	[tilespmem:$0x14400] =	vst v63  }
0x68: {  	_ =	swait.ge [sflag:s7], $0xE000  }
0x69: {  	s30 =	smov.u32 s29;
	s26 =	sadd.s32 $0x1C00, s26;
	[sflag:s7] =	ssyncset.done $0x0  }
0x6a: {  	s28 =	sshra.s32 s28, $0x2;
	[sflag:s7] =	ssyncadd.s32 $0xFFFF2000  }
0x6b: {  	[tilespmem:s9], [sflag:$0x1] =	stream.indirect.gather [hbm4b:s3+s8], $0x38, s28, s8, $0xb8;
	[tilespmem:$0x14400] =	vst v63  }
0x6c: {  	s29 =	sadd.s32 $0x80, s28  }
0x6d: {  	[tilespmem:s10], [sflag:$0x2] =	stream.indirect.gather [hbm4b:s3+s8], $0x38, s29, s8, $0xb8;
	[tilespmem:$0x14400] =	vst v63  }
0x6e: {  	s31 =	sadd.s32 $0x100, s28  }
0x6f: {  	[tilespmem:s11], [sflag:$0x3] =	stream.indirect.gather [hbm4b:s3+s8], $0x38, s31, s8, $0xb8;
	[tilespmem:$0x14400] =	vst v63  }
0x70: {  	s30 =	sadd.s32 $0x180, s28  }
0x71: {  	[tilespmem:s12], [sflag:$0x4] =	stream.indirect.gather [hbm4b:s3+s8], $0x38, s30, s8, $0xb8;
	[tilespmem:$0x14400] =	vst v63  }
0x72: {  	s31 =	sadd.s32 $0x200, s28  }
0x73: {  	[tilespmem:s13], [sflag:$0x5] =	stream.indirect.gather [hbm4b:s3+s8], $0x38, s31, s8, $0xb8;
	[tilespmem:$0x14400] =	vst v63  }
0x74: {  	s30 =	sadd.s32 $0x280, s28  }
0x75: {  	[tilespmem:s14], [sflag:$0x6] =	stream.indirect.gather [hbm4b:s3+s8], $0x38, s30, s8, $0xb8;
	[tilespmem:$0x14400] =	vst v63  }
0x76: {  	s31 =	sadd.s32 $0x300, s28  }
0x77: {  	[tilespmem:s15], [sflag:$0x7] =	stream.indirect.gather [hbm4b:s3+s8], $0x38, s31, s8, $0xb8;
	[tilespmem:$0x14400] =	vst v63  }
0x78: {  	s28 =	sadd.s32 $0x380, s28  }
0x79: {  	[tilespmem:s16], [sflag:$0x8] =	stream.indirect.gather [hbm4b:s3+s8], $0x38, s28, s8, $0xb8;
	[tilespmem:$0x14400] =	vst v63  }
0x7a: {  	_ =	swait.ge [sflag:s17], $0x1C00  }
0x7b: {  	[sflag:s17] =	ssyncset.done $0x0  }
0x7c: {  	[sflag:s17] =	ssyncadd.s32 $0xFFFFE400  }
0x7d: {  	_ =	swait.ge [sflag:s18], $0x1C00  }
0x7e: {  	[sflag:s18] =	ssyncset.done $0x0  }
0x7f: {  	[sflag:s18] =	ssyncadd.s32 $0xFFFFE400  }
0x80: {  	_ =	swait.ge [sflag:s19], $0x1C00  }
0x81: {  	[sflag:s19] =	ssyncset.done $0x0  }
0x82: {  	[sflag:s19] =	ssyncadd.s32 $0xFFFFE400  }
0x83: {  	_ =	swait.ge [sflag:s20], $0x1C00  }
0x84: {  	[sflag:s20] =	ssyncset.done $0x0  }
0x85: {  	[sflag:s20] =	ssyncadd.s32 $0xFFFFE400  }
0x86: {  	_ =	swait.ge [sflag:s21], $0x1C00  }
0x87: {  	[sflag:s21] =	ssyncset.done $0x0  }
0x88: {  	[sflag:s21] =	ssyncadd.s32 $0xFFFFE400  }
0x89: {  	_ =	swait.ge [sflag:s22], $0x1C00  }
0x8a: {  	[sflag:s22] =	ssyncset.done $0x0  }
0x8b: {  	[sflag:s22] =	ssyncadd.s32 $0xFFFFE400  }
0x8c: {  	_ =	swait.ge [sflag:s23], $0x1C00  }
0x8d: {  	[sflag:s23] =	ssyncset.done $0x0  }
0x8e: {  	[sflag:s23] =	ssyncadd.s32 $0xFFFFE400  }
0x8f: {  	s25 =	sadd.s32 $0x1, s25;
	_ =	swait.ge [sflag:s24], $0x1C00  }
0x90: {  	p0 =	sne.s32 s25, s5;
	[sflag:s24] =	ssyncset.done $0x0  }
.Ltmp1:
0x91: {  	[sflag:s24] =	ssyncadd.s32 $0xFFFFE400;
	(pc) =	sbr.rel @p0 .LBB2_1-.Ltmp1, $4  }
0x92: {  	[hbm4b:s26+s2] =	stream.linear.scatter [tilespmem:s9], [sflag:$0x9], $0xE000, $0x38;
	[tilespmem:$0x14400] =	vst v63  }
0x93: {  	_ =	swait.ge [sflag:s7], $0xE000  }
0x94: {  	[sflag:s7] =	ssyncset.done $0x0  }
0x95: {  	[sflag:s7] =	ssyncadd.s32 $0xFFFF2000  }
0x96: {  	_ =	sfence.sel $0x180000  }
0x97: {  	[bflag:$0x0] =	sbarrier.arrive $0xFFFF  }
0x98: {  	p0 =	sne.s32 s0, $0x0;
	_ =	strace $0x90000047  }
0x99: {  	s0 =	sadd.s32 @!p0 $0x100000, s1;
	[bflag:$0x2] =	sbarrier.arrive $0xFFFF  }
0x9a: {  	[sflag:s0] =	ssyncadd.tile.s32 @!p0 $0x1;
	_ =	shalt  }
.Lfunc_end2:
_tile_overlayer_lowered:
.L_overlay_start_2:
0x9b: {  	(tag) =	ssettag $0x2  }
0x9c: {  	s0 =	rddreg [dreg:$0x0];
	s2 =	stileid.u32  }
0x9d: {  	s1 =	rddreg [dreg:$0x1];
	p0 =	sne.s32 s2, $0x0  }
0x9e: {  	s3 =	rddreg [dreg:$0x2];
	[bflag:$0x3] =	sbarrier.arrive $0xFFFF;
	s2 =	simm.s32 @!p0 $0x1C09  }
0x9f: {  	[timem:s3], [sflag:s2] =	dma.local @!p0 [hbm:s0], s1  }
0xa0: {  	s0 =	simm.s32 @!p0 $0x9  }
0xa1: {  	_ =	swait.ge @!p0 [sflag:s0], s1  }
0xa2: {  	s1 =	ssub.s32 @!p0 $0x0, s1;
	[sflag:s0] =	ssyncset.done @!p0 $0x0  }
0xa3: {  	[sflag:s0] =	ssyncadd.s32 @!p0 s1  }
0xa4: {  	[bflag:$0x3] =	sbarrier.arrive $0xFFFF  }
0xa5: {  	_ =	shalt  }

// kernel: sparse-core-data-format-call.cloned.1.call-start
scs
called_computation_lowered:
.L_overlay_start_0:
0x0: {  	s2 =	sld [smem:$0x3FD9]  }
0x1: {  	s3 =	sld [smem:$0x3FFE];
	_ =	sdelay $0x1  }
0x2: {  	s1 =	srdreg.scid  }
0x3: {  	s0 =	sand.u32 $0x1, s1  }
0x4: {  	s18 =	sshll.u32 s0, $0xA;
	s2 =	sadd.s32 s3, s2  }
0x5: {  	s2 =	sadd.s32 s2, s18  }
0x6: {  	[smem:$0x3FC6] =	sst s2  }
0x7: {  	_ = 	snop  }
0x8: {  	s2 =	sld [smem:$0x3FD0];
	(tm) =	ssettm $0x1  }
0x9: {  	s19 =	sld [smem:$0x3FFB];
	_ =	sdelay $0x3  }
0xa: {  	_ =	strace s19  }
0xb: {  	s3 =	sld [smem:$0x3FFC];
	_ =	sdelay $0x3  }
0xc: {  	_ =	strace s3  }
0xd: {  	s3 =	sld [smem:$0x3FFD];
	_ =	sdelay $0x3  }
0xe: {  	_ =	strace s3  }
0xf: {  	_ =	strace $0x8FFFFFFF  }
0x10: {  	s20 =	sld [smem:$0x3FDB];
	_ =	sdelay $0x1  }
0x11: {  	s4 =	simm.s32 $_scs_section_size  }
0x12: {  	s5 =	simm.s32 $_size__tile_overlayer_lowered;
	s6 =	simm.s32 $_tile_overlayer_lowered  }
0x13: {  	s23 =	simm.s32 $0x1BFF;
	s22 =	sshll.u32 s6, $0x1;
	s3 =	sadd.s32 s4, s20  }
0x14: {  	s7 =	simm.s32 $0x0;
	s21 =	sshll.u32 s5, $0x1;
	s5 =	sadd.s32 s22, s3  }
0x15: {  	[timem:s7], [sflag:s23] =	dma.local [hbm:s5], s21  }
0x16: {  	_ =	swait.ge [sflag:s23], s21  }
0x17: {  	s4 =	ssub.s32 $0x0, s21;
	[sflag:s23] =	ssyncset.done $0x0  }
0x18: {  	[sflag:s23] =	ssyncadd.s32 s4;
	_ =	sdelay $0x1  }
0x19: {  	s24 =	simm.s32 $0x1B8B  }
0x1a: {  	_ =	swait.ge [sflag:s24], $0x1  }
0x1b: {  	[sflag:s24] =	ssyncset.done $0x0  }
0x1c: {  	s26 =	simm.s32 $0x1B8E;
	s25 =	sld [smem:$0x3FFE];
	[sflag:s24] =	ssyncadd.s32 $0xFFFFFFFF  }
0x1d: {  	s27 =	simm.s32 $execute0_lowered;
	[smem:$0x3FD2] =	sst s26  }
0x1e: {  	s5 =	sshll.u32 s27, $0x1;
	_ =	strace $0x80000049;
	[dreg:$0x1] =	wrdreg $0xFFFFFFFF  }
0x1f: {  	s28 =	simm.s32 $_size_execute0_lowered;
	s3 =	sadd.s32 s3, s5;
	[dreg:$0x0] =	wrdreg $0x0  }
0x20: {  	s5 =	sshll.u32 s28, $0x1;
	[dreg:$0x2] =	wrdreg s3  }
0x21: {  	[dreg:$0x3] =	wrdreg s5  }
0x22: {  	[dreg:$0x4] =	wrdreg $0xC0  }
0x23: {  	_ =	task [dreg:s7], $0x5FFFF  }
0x24: {  	[dreg:$0x1] =	wrdreg $0xFFFFFFFF  }
0x25: {  	[dreg:$0x0] =	wrdreg $0x60  }
0x26: {  	[dreg:$0x2] =	wrdreg s25  }
0x27: {  	[dreg:$0x3] =	wrdreg s2  }
0x28: {  	[dreg:$0x4] =	wrdreg $0x9  }
0x29: {  	_ =	task.clear_ibuf [dreg:s7], $0x5FFFF;
	_ =	strace $0x90000049  }
0x2a: {  	s29 =	simm.s32 $0x9;
	_ =	strace $0x8000004B  }
0x2b: {  	_ =	swait.ge [sflag:s29], $0x1  }
0x2c: {  	[sflag:s29] =	ssyncadd.s32 $0xFFFFFFFF  }
0x2d: {  	_ =	strace $0x9000004B  }
0x2e: {  	_ =	sfence  }
0x2f: {  	s30 =	sld [smem:$0x0];
	_ =	sdelay $0x2  }
0x30: {  	s31 =	sshll.u32 s1, $0xD;
	s1 =	sshrl.u32 s1, $0x2  }
0x31: {  	s3 =	sand.u32 $0x4000, s31;
	s1 =	sadd.s32 s1, s30  }
0x32: {  	s0 =	sor.u32 s3, s0;
	s1 =	sshll.u32 s1, $0x11  }
0x33: {  	s0 =	sor.u32 s1, s0  }
0x34: {  	s0 =	sadd.s32 $0x8F2B, s0  }
0x35: {  	[sflag:s0] =	ssyncadd.remote.s32 $0x1  }
0x36: {  	_ =	sfence.sel $0xFFFF  }
0x37: {  	[dreg:$0x0] =	wrdreg $0xFFFFFFFF;
	(pc) =	sbr.abs _section_cstart, $3  }
0x38: {  	[dreg:$0x1] =	wrdreg $0xFFFFFFFF  }
0x39: {  	_ =	task.clear_ibuf [dreg:s7], $0x2FFFF;
	_ =	strace $0x9FFFFFFF  }
0x3a: {  	(tm) =	ssettm $0x7FFFFFFF  }
0x3b: {  	_ =	shalt  }
tec
execute0_lowered:
.L_overlay_start_1:
0x0: {  	(tag) =	ssettag $0x1  }
0x1: {  	s0 =	srdreg.scid  }
0x2: {  	s1 =	sshll.u32 s0, $0x4  }
0x3: {  	s6 =	rddreg [dreg:$0x0];
	s0 =	stileid.u32;
	s1 =	sand.u32 $0x10, s1  }
0x4: {  	s3 =	rddreg [dreg:$0x1];
	s1 =	sor.u32 s0, s1  }
0x5: {  	s5 =	simm.s32 $0x1;
	s31 =	simm.s32 $0x2;
	s2 =	sshll.u32 s1, $0x7  }
0x6: {  	s15 =	simm.s32 $0x0;
	s8 =	simm.s32 $0x20000;
	s4 =	ssub.s32 $0x4000, s2  }
0x7: {  	s14 =	simm.s32 $0x0;
	s9 =	simm.s32 $0x0;
	s30 =	sand.u32 $0xF80, s4  }
0x8: {  	s10 =	simm.s32 $0x0;
	s11 =	simm.s32 $0x0;
	p0 =	sne.s32 s30, $0x0  }
.Ltmp0:
0x9: {  	s7 =	sshrl.u32 s4, $0xC;
	s5 =	simm.s32 @!p0 $0x0;
	(pc) =	sbr.rel .LBB1_1-.Ltmp0, $4  }
0xa: {  	s13 =	simm.s32 $0x0;
	s1 =	rddreg [dreg:$0x2];
	s5 =	sadd.s32 s5, s7  }
0xb: {  	_ =	strace $0x8000004A;
	s4 =	simm.s32 $0x1;
	s5 =	smul.u32 $0x32, s5  }
0xc: {  	s6 =	sadd.s32 $0xC80800, s6;
	s12 =	smov.u32 s2;
	[sflag:s4] =	ssyncpa.u1 $0x0  }
0xd: {  	[sflag:s31] =	ssyncpa.u1 $0x0;
	p0 =	por $0x0, $0x0;
	s7 =	sor.u32 $0x1, s5  }
.LBB1_4:
0xe: {  	s18 =	sshll.u32 s10, $0x3  }
0xf: {  	p1 =	sgt.s32 s9, $0x31;
	s19 =	smov.u32 s9;
	s21 =	sshra.s32 s9, $0x1F  }
0x10: {  	s22 =	smov.u32 s10;
	s23 =	sshra.s32 s10, $0x1F;
	s25 =	sand.u32 $0x78, s10  }
0x11: {  	s27 =	smul.u32 $0x1C000, s9;
	s28 =	sand.u32 $0x7, s10;
	s20 =	sshrl.u32 s18, $0xE  }
0x12: {  	s19 =	simm.s32 @!p1 $0x31;
	s21 =	sand.u32 s21, s9;
	p1 =	sgt.s32 s10, $0x3F80  }
0x13: {  	s30 =	sand.u32 s23, s10;
	s18 =	sand.u32 $0x3C00, s18;
	s19 =	ssub.s32 s19, s21  }
0x14: {  	s22 =	simm.s32 @!p1 $0x3F80;
	s31 =	smulhi.u32 $0x4924925, s20;
	s24 =	ssub.s32 $0x32, s19  }
0x15: {  	s21 =	ssub.s32 s22, s30;
	s19 =	sadd.s32 $0xFFFFFFCF, s19;
	s24 =	smul.u32 $0x38, s24  }
0x16: {  	s23 =	smul.u32 $0x38, s31;
	p1 =	sgt.s32 s19, $0x0;
	s26 =	sadd.s32 $0xFFFFC080, s21  }
0x17: {  	s19 =	ssub.s32 $0x4000, s21;
	s24 =	simm.s32 @p1 $0x0;
	p1 =	sgt.s32 s26, $0x7F  }
0x18: {  	s18 =	sor.u32 s25, s18;
	s20 =	ssub.s32 s20, s23;
	s19 =	simm.s32 @p1 $0x0  }
0x19: {  	[tilespmem:s17+$0x810 ss:$0x81] =	vst.msk $0xffff, v2;
	s21 =	sadd.s32 s3, s27;
	s20 =	sshll.u32 s20, $0xB;
	s19 =	smul.u32 s19, s24  }
0x1a: {  	[tilespmem:s17+$0x1020 ss:$0x81] =	vst.msk $0xffff, v0;
	s29 =	sshll.u32 s28, $0x12;
	s18 =	sshrl.u32 s18, $0x3;
	s20 =	sadd.s32 s20, s21  }
0x1b: {  	[tilespmem:s17+$0x0 ss:$0x81] =	vst.msk $0xffff, v1;
	s31 =	sor.u32 $0x400, s29;
	s18 =	sadd.s32 s18, s20;
	s30 =	sand.u32 $0x3FFFFFF8, s19  }
0x1c: {  	[hbm4b:s18+s31] =	stream.strided.scatter [tilespmem:s16], [sflag:$0x2], s30, s8, s31, $0x20;
	[tilespmem:$0x8080] =	vst v63  }
.LBB1_5:
0x1d: {  	p1 =	slt.u32 s13, $0x2  }
0x1e: {  	s17 =	smov.u32 s15;
	p2 =	sgt.s32 @!p1 s15, $0x31;
	s16 =	sshra.s32 @!p1 s15, $0x1F  }
0x1f: {  	p3 =	sgt.s32 @!p1 s14, $0x3F80;
	s18 =	sshra.s32 @!p1 s14, $0x1F;
	p2 =	por !p2, p1  }
0x20: {  	s15 =	sand.u32 @!p1 s16, s15;
	p3 =	por !p3, p1;
	s16 =	smov.u32 s14  }
0x21: {  	s14 =	sand.u32 @!p1 s18, s14;
	s17 =	simm.s32 @p2 $0x31;
	s16 =	simm.s32 @p3 $0x3F80  }
0x22: {  	s18 =	smov.u32 s12;
	s15 =	ssub.s32 @!p1 s17, s15;
	s14 =	ssub.s32 @!p1 s16, s14  }
0x23: {  	s16 =	sadd.s32 @!p1 $0xFFFFFFCF, s15;
	s15 =	ssub.s32 @!p1 $0x32, s15;
	s17 =	sadd.s32 @!p1 $0xFFFFC080, s14  }
0x24: {  	p2 =	sgt.s32 @!p1 s16, $0x0;
	s15 =	smul.u32 @!p1 $0x38, s15;
	p3 =	sgt.s32 @!p1 s17, $0x7F  }
0x25: {  	s14 =	ssub.s32 @!p1 $0x4000, s14;
	p2 =	por !p2, p1;
	p3 =	por !p3, p1  }
0x26: {  	s16 =	sadd.s32 $0x1, s11;
	s15 =	simm.s32 @!p2 $0x0;
	s14 =	simm.s32 @!p3 $0x0  }
0x27: {  	p2 =	sgt.s32 s16, $0x31;
	s14 =	smul.u32 @!p1 s14, s15;
	s15 =	sadd.s32 $0x1000, s12  }
0x28: {  	s18 =	smov.u32 @p2 s15  }
0x29: {  	s16 =	simm.s32 @p2 $0x0;
	p2 =	sgt.s32 s18, $0x3FFF  }
0x2a: {  	s18 =	smov.u32 @p2 s2;
	p2 =	sne.s32 s13, s7  }
.Ltmp1:
0x2b: {  	p0 =	por !p0, !p0;
	s17 =	simm.s32 @!p1 $0x2;
	(pc) =	sbr.rel @!p2 .LBB1_6-.Ltmp1, $4  }
0x2c: {  	s15 =	smov.u32 s9;
	s9 =	smov.u32 s11;
	s14 =	sand.u32 @!p1 $0x3FFFFFF8, s14  }
0x2d: {  	s11 =	smov.u32 s16;
	_ =	swait.ge @!p1 [sflag:s17], s14;
	s19 =	ssub.s32 @!p1 $0x0, s14  }
0x2e: {  	s14 =	smov.u32 s10;
	s13 =	sadd.s32 $0x1, s13;
	[sflag:s17] =	ssyncset.done @!p1 $0x0  }
0x2f: {  	s10 =	smov.u32 s12;
	s12 =	smov.u32 s18;
	[sflag:s17] =	ssyncadd.s32 @!p1 s19  }
.LBB1_1:
0x30: {  	p1 =	sge.u32 s13, s5  }
0x31: {  	s16 =	sand.u32 @!p1 $0x1FFFFFF, s11  }
0x32: {  	s17 =	smulhi.u32 @!p1 $0x4924925, s16;
	_ =	sdelay $0x1  }
0x33: {  	s17 =	smul.u32 @!p1 $0x38, s17  }
0x34: {  	s18 =	sxor.u32 @!p1 $0xFFFFFFFF, s13;
	s19 =	smul.u32 @!p1 $0x380, s12  }
0x35: {  	s31 =	sadd.s32 $0xFFFFFFFF, s13;
	s18 =	sshll.u32 @!p1 s18, $0xD;
	s16 =	ssub.s32 @!p1 s16, s17  }
0x36: {  	s17 =	sand.u32 @!p1 $0x2000, s18;
	s18 =	sadd.s32 @!p1 s6, s19;
	s16 =	sshll.u32 @!p1 s16, $0x4  }
0x37: {  	s19 =	simm.s32 @!p1 $0x1C00;
	s16 =	sadd.s32 @!p1 s16, s18;
	s18 =	simm.s32 @!p1 $0x40  }
0x38: {  	[tilespmem:s17], [sflag:$0x1] =	stream.strided.gather @!p1 [hbm4b:s16+s18], $0x2000, s19, s18, $0x38;
	[tilespmem:$0x8080] =	vst v63  }
0x39: {  	p1 =	sge.u32 s31, s5  }
.Ltmp2:
0x3a: {  	_ = 	snop;
	(pc) =	sbr.rel @p1 .LBB1_5-.Ltmp2, $1  }
0x3b: {  	_ =	sdelay $0x3  }
0x3c: {  	s16 =	simm.s32 $0x1  }
0x3d: {  	_ =	swait.ge [sflag:s4], $0x2000;
	s16 =	simm.s32 @!p0 $0x0  }
0x3e: {  	[sflag:s4] =	ssyncset.done $0x0;
	s17 =	sshll.u32 s16, $0xD  }
0x3f: {  	[sflag:s4] =	ssyncadd.s32 $0xFFFFE000;
	s20 =	sor.u32 $0x20, s17  }
0x40: {  	s16 =	smul.u32 $0x8100, s16;
	v3 =	vld [tilespmem:s20+$0x10]  }
0x41: {  	s30 =	sand.u32 $0x1, s13;
	v2 =	vld [tilespmem:s20+$0xFFFFFFF0]  }
0x42: {  	s17 =	smul.u32 $0x8100, s30;
	s16 =	sshrl.u32 s16, $0x2;
	v0 =	vld [tilespmem:s20+$0x0]  }
0x43: {  	v1 =	vld [tilespmem:s20+$0xFFFFFFE0];
	s18 =	sor.u32 $0x4000, s16  }
0x44: {  	s31 =	sshrl.u32 s17, $0x2;
	s17 =	sadd.s32 $0x0, s18  }
0x45: {  	s19 =	simm.s32 $0x4;
	s20 =	sadd.s32 $0x40, s20;
	s16 =	sor.u32 $0x4000, s31;
	[tilespmem:s17+$0x1830 ss:$0x81] =	vst.msk $0xffff, v3  }
.LBB1_3:
0x46: {  	v3 =	vld [tilespmem:s20+$0x10];
	p1 =	sne.s32 s19, $0x1FC;
	[tilespmem:s17+$0x810 ss:$0x81] =	vst.msk $0xffff, v2;
	s21 =	smov.u32 s19;
	s19 =	sadd.s32 $0x4, s19  }
.Ltmp3:
0x47: {  	v2 =	vld [tilespmem:s20+$0xFFFFFFF0];
	[tilespmem:s17+$0x1020 ss:$0x81] =	vst.msk $0xffff, v0;
	(pc) =	sbr.rel @p1 .LBB1_3-.Ltmp3, $4  }
0x48: {  	v0 =	vld [tilespmem:s20+$0x0];
	[tilespmem:s17+$0x0 ss:$0x81] =	vst.msk $0xffff, v1  }
0x49: {  	s17 =	sshra.s32 s21, $0x2;
	v1 =	vld [tilespmem:s20+$0xFFFFFFE0]  }
0x4a: {  	s17 =	sadd.s32 s17, s18  }
0x4b: {  	s20 =	sadd.s32 $0x40, s20;
	[tilespmem:s17+$0x1830 ss:$0x81] =	vst.msk $0xffff, v3  }
.Ltmp4:
0x4c: {  	_ = 	snop;
	(pc) =	sbr.rel .LBB1_4-.Ltmp4, $1  }
0x4d: {  	_ =	sdelay $0x3  }
.LBB1_6:
0x4e: {  	_ =	sfence.sel $0x180000  }
0x4f: {  	s2 =	simm.s32 $0x1;
	[bflag:$0x0] =	sbarrier.arrive $0xFFFF  }
0x50: {  	s31 =	simm.s32 $0x2;
	[sflag:s2] =	ssyncpa.u1 $0x1  }
0x51: {  	[sflag:s31] =	ssyncpa.u1 $0x1  }
0x52: {  	p0 =	sne.s32 s0, $0x0;
	_ =	strace $0x9000004A  }
0x53: {  	s0 =	sadd.s32 @!p0 $0x100000, s1;
	[bflag:$0x2] =	sbarrier.arrive $0xFFFF  }
0x54: {  	[sflag:s0] =	ssyncadd.tile.s32 @!p0 $0x1;
	_ =	shalt  }
.Lfunc_end1:
_tile_overlayer_lowered:
.L_overlay_start_2:
0x55: {  	(tag) =	ssettag $0x2  }
0x56: {  	s0 =	rddreg [dreg:$0x0];
	s2 =	stileid.u32  }
0x57: {  	s1 =	rddreg [dreg:$0x1];
	p0 =	sne.s32 s2, $0x0  }
0x58: {  	s3 =	rddreg [dreg:$0x2];
	[bflag:$0x3] =	sbarrier.arrive $0xFFFF;
	s2 =	simm.s32 @!p0 $0x1C01  }
0x59: {  	[timem:s3], [sflag:s2] =	dma.local @!p0 [hbm:s0], s1  }
0x5a: {  	s0 =	simm.s32 @!p0 $0x1  }
0x5b: {  	_ =	swait.ge @!p0 [sflag:s0], s1  }
0x5c: {  	s1 =	ssub.s32 @!p0 $0x0, s1;
	[sflag:s0] =	ssyncset.done @!p0 $0x0  }
0x5d: {  	[sflag:s0] =	ssyncadd.s32 @!p0 s1  }
0x5e: {  	[bflag:$0x3] =	sbarrier.arrive $0xFFFF  }
0x5f: {  	_ =	shalt  }

</sc_bundles>
